<compile_context>
chip_gen: v7x
topology: tpu7x:2x2x1
jax: 0.10.2.dev20260603
libtpu: 0.0.44.dev20260713+nightly
codegen_flags: <defaults>
</compile_context>

<pallas_src>
import functools

import jax
import jax.numpy as jnp
from jax import lax
from jax.experimental import pallas as pl
from jax.experimental.pallas import tpu as pltpu
from jax.experimental.pallas import tpu_sc as plsc

VOCAB = 100000
EMBED = 128
PROJ = 512
LN_EPS = 1e-5

NC = 2
NS = 16
NW = NC * NS

LPAD = 56
CHUNK = 128
ROWS_F = 2000


def _project_ln_body(table_ref, w_ref, b_ref, gamma_ref, beta_ref, out_ref):
    h = lax.dot_general(
        table_ref[...], w_ref[...],
        dimension_numbers=(((1,), (1,)), ((), ())),
        preferred_element_type=jnp.float32,
    )
    h = h + b_ref[...]
    mu = jnp.mean(h, axis=-1, keepdims=True)
    var = jnp.mean((h - mu) ** 2, axis=-1, keepdims=True)
    out_ref[...] = (h - mu) * lax.rsqrt(var + LN_EPS) * gamma_ref[...] + beta_ref[...]


def _project_ln(table, W, b, gamma, beta):
    return pl.pallas_call(
        _project_ln_body,
        grid=(VOCAB // ROWS_F,),
        in_specs=[
            pl.BlockSpec((ROWS_F, EMBED), lambda i: (i, 0)),
            pl.BlockSpec((PROJ, EMBED), lambda i: (0, 0)),
            pl.BlockSpec((1, PROJ), lambda i: (0, 0)),
            pl.BlockSpec((1, PROJ), lambda i: (0, 0)),
            pl.BlockSpec((1, PROJ), lambda i: (0, 0)),
        ],
        out_specs=pl.BlockSpec((ROWS_F, PROJ), lambda i: (i, 0)),
        out_shape=jax.ShapeDtypeStruct((VOCAB, PROJ), jnp.float32),
    )(table, W, b.reshape(1, PROJ), gamma.reshape(1, PROJ), beta.reshape(1, PROJ))


def _make_sc_gather(n_rows, n_chunks):
    per_w = n_chunks * CHUNK
    mesh = plsc.VectorSubcoreMesh(core_axis_name="c", subcore_axis_name="s")

    @functools.partial(
        pl.kernel,
        out_type=jax.ShapeDtypeStruct((n_rows, PROJ), jnp.float32),
        mesh=mesh,
        scratch_types=[
            pltpu.VMEM((n_chunks, CHUNK), jnp.int32),
            pltpu.VMEM((CHUNK, PROJ), jnp.float32),
            pltpu.SemaphoreType.DMA,
        ],
    )
    def gather_kernel(f_hbm, idx_hbm, out_hbm, idx_v, rows_v, sem):
        wid = lax.axis_index("s") * NC + lax.axis_index("c")
        pltpu.sync_copy(idx_hbm.at[wid], idx_v)
        base = wid * per_w

        def step(j, carry):
            pltpu.async_copy(f_hbm.at[idx_v.at[j]], rows_v, sem).wait()
            pltpu.sync_copy(rows_v, out_hbm.at[pl.ds(base + j * CHUNK, CHUNK)])
            return carry

        lax.fori_loop(0, n_chunks, step, 0)

    return gather_kernel


def kernel(texts, table, W, b, gamma, beta):
    B, L = texts.shape
    f = _project_ln(table, W, b, gamma, beta)
    pad_idx = (jnp.arange(B * (LPAD - L), dtype=jnp.int32) % VOCAB).reshape(
        B, LPAD - L)
    texts_p = jnp.concatenate([texts.astype(jnp.int32), pad_idx], axis=1)
    n_rows = B * LPAD
    n_chunks = n_rows // (NW * CHUNK)
    idx = texts_p.reshape(NW, n_chunks, CHUNK)
    gp = _make_sc_gather(n_rows, n_chunks)(f, idx)
    return gp.reshape(B, LPAD, PROJ)[:, :L, :]

# --- scband reference (transcript-rebuilt; emitter-appended) ---
"""Pipeline reference for scband-text-embed-64914135712010 (READ-ONLY COPY).

The authoritative reference and input builder live on the scoring server;
editing this copy changes nothing except your own understanding.
"""

import jax, jax.numpy as jnp
import numpy as np

VOCAB = 100000
EMBED = 128
PROJ = 512
B = 4096
L = 50
LN_EPS = 1e-5


def setup_inputs(seed: int = 0) -> dict:
    key = jax.random.key(seed)
    k_idx, k_tab, k_w, k_b = jax.random.split(key, 4)
    texts = jax.random.randint(k_idx, (B, L), 0, VOCAB, dtype=jnp.int64 if jax.config.jax_enable_x64 else jnp.int32)
    # xavier_uniform-style init for embedding table and projection
    lim_tab = float(np.sqrt(6.0 / (VOCAB + EMBED)))
    table = jax.random.uniform(k_tab, (VOCAB, EMBED), minval=-lim_tab, maxval=lim_tab, dtype=jnp.float32)
    lim_w = float(np.sqrt(6.0 / (EMBED + PROJ)))
    W = jax.random.uniform(k_w, (PROJ, EMBED), minval=-lim_w, maxval=lim_w, dtype=jnp.float32)
    b = jnp.zeros((PROJ,), dtype=jnp.float32)
    gamma = jnp.ones((PROJ,), dtype=jnp.float32)
    beta = jnp.zeros((PROJ,), dtype=jnp.float32)
    return {"texts": texts, "table": table, "W": W, "b": b, "gamma": gamma, "beta": beta}


def reference(texts, table, W, b, gamma, beta):
    # y = rnn.label_collate(texts): texts already a dense int tensor
    # mask_label_prob == 0.0 and eval mode -> no random replacement
    h = jnp.take(table, texts, axis=0)                 # [B, L, EMBED] embedding lookup
    h = jnp.einsum('ble,pe->blp', h, W) + b            # Linear proj to [B, L, PROJ]
    mu = jnp.mean(h, axis=-1, keepdims=True)           # LayerNorm over last dim
    var = jnp.mean((h - mu) ** 2, axis=-1, keepdims=True)
    h = (h - mu) / jnp.sqrt(var + LN_EPS) * gamma + beta
    # Dropout(p=0.0) / eval mode -> identity
    return h

if __name__ == "__main__":
    import jax
    _d = setup_inputs()
    print(jax.jit(kernel)(*tuple(_d.values())))

</pallas_src>

<mosaic_0001>
#map = affine_map<(d0, d1) -> (0, 0)>
#map1 = affine_map<(d0, d1) -> (0, 0, 0)>
module attributes {stable_mosaic.version = 14 : i64} {
  func.func @gather_kernel(%arg0: i32, %arg1: i32, %arg2: memref<100000x512xf32, #tpu.memory_space<hbm>>, %arg3: memref<32x56x128xi32, #tpu.memory_space<hbm>>, %arg4: memref<229376x512xf32, #tpu.memory_space<hbm>>, %arg5: memref<56x128xi32, #tpu.memory_space<vmem>>, %arg6: memref<128x512xf32, #tpu.memory_space<vmem>>, %arg7: memref<!tpu.dma_semaphore, #tpu.memory_space<semaphore_mem>>) attributes {dimension_semantics = [#tpu.dimension_semantics<core_parallel>, #tpu.dimension_semantics<subcore_parallel>], iteration_bounds = array<i64: 2, 16>, scalar_prefetch = 0 : i64, scratch_operands = 3 : i64, tpu.core_type = #tpu.core_type<sc_vector_subcore>, window_params = [{transform_indices = #map}, {transform_indices = #map1}, {transform_indices = #map}]} {
    %mul3A = arith.constant 2 : i32
    %mul3A_0 = arith.muli %arg1, %mul3A : i32
    %add3A = arith.addi %mul3A_0, %arg0 : i32
    "tpu.region"() ({
      %run_scoped3A = tpu.sem_alloc : memref<!tpu.dma_semaphore, #tpu.memory_space<semaphore_mem>>
      %dma_start3A = arith.constant 0 : i32
      %dma_start3A_8 = arith.constant 0 : i32
      %dma_start3A_9 = tpu.memref_slice %arg3[%add3A, %dma_start3A, %dma_start3A_8] : memref<32x56x128xi32, #tpu.memory_space<hbm>> -> memref<1x56x128xi32, #tpu.memory_space<hbm>>
      %dma_start3A_10 = tpu.memref_squeeze %dma_start3A_9 : memref<1x56x128xi32, #tpu.memory_space<hbm>> -> memref<56x128xi32, #tpu.memory_space<hbm>>
      %dma_start3A_11 = arith.constant 0 : i32
      %dma_start3A_12 = arith.constant 0 : i32
      %dma_start3A_13 = tpu.memref_slice %arg3[%add3A, %dma_start3A_11, %dma_start3A_12] : memref<32x56x128xi32, #tpu.memory_space<hbm>> -> memref<1x56x128xi32, #tpu.memory_space<hbm>>
      %dma_start3A_14 = tpu.memref_squeeze %dma_start3A_13 : memref<1x56x128xi32, #tpu.memory_space<hbm>> -> memref<56x128xi32, #tpu.memory_space<hbm>>
      tpu.enqueue_dma source(%dma_start3A_14 : memref<56x128xi32, #tpu.memory_space<hbm>>) target(%arg5 : memref<56x128xi32, #tpu.memory_space<vmem>>) target_semaphore(%run_scoped3A : memref<!tpu.dma_semaphore, #tpu.memory_space<semaphore_mem>>)
      %dma_wait3A = arith.constant 0 : i32
      %dma_wait3A_15 = arith.constant 0 : i32
      %dma_wait3A_16 = tpu.memref_slice %arg3[%add3A, %dma_wait3A, %dma_wait3A_15] : memref<32x56x128xi32, #tpu.memory_space<hbm>> -> memref<1x56x128xi32, #tpu.memory_space<hbm>>
      %dma_wait3A_17 = tpu.memref_squeeze %dma_wait3A_16 : memref<1x56x128xi32, #tpu.memory_space<hbm>> -> memref<56x128xi32, #tpu.memory_space<hbm>>
      %dma_wait3A_18 = arith.constant 0 : i32
      %dma_wait3A_19 = arith.constant 0 : i32
      %dma_wait3A_20 = tpu.memref_slice %arg3[%add3A, %dma_wait3A_18, %dma_wait3A_19] : memref<32x56x128xi32, #tpu.memory_space<hbm>> -> memref<1x56x128xi32, #tpu.memory_space<hbm>>
      %dma_wait3A_21 = tpu.memref_squeeze %dma_wait3A_20 : memref<1x56x128xi32, #tpu.memory_space<hbm>> -> memref<56x128xi32, #tpu.memory_space<hbm>>
      tpu.wait_dma2 semaphore(%run_scoped3A : memref<!tpu.dma_semaphore, #tpu.memory_space<semaphore_mem>>) src(%dma_wait3A_21 : memref<56x128xi32, #tpu.memory_space<hbm>>) dst(%arg5 : memref<56x128xi32, #tpu.memory_space<vmem>>)
      tpu.yield
    }) : () -> ()
    %mul3A_1 = arith.constant 7168 : i32
    %mul3A_2 = arith.muli %add3A, %mul3A_1 : i32
    %scan3A = arith.constant 0 : i32
    %scan3A_3 = arith.constant 0 : i32
    %scan3A_4 = arith.constant 56 : i32
    %scan3A_5 = arith.addi %scan3A_3, %scan3A_4 : i32
    %scan3A_6 = arith.constant 1 : i32
    scf.for %scan3A_8 = %scan3A_3 to %scan3A_5 step %scan3A_6  : i32 {
      %dma_start3A = arith.constant 0 : i32
      %dma_start3A_9 = tpu.memref_slice %arg5[%scan3A_8, %dma_start3A] : memref<56x128xi32, #tpu.memory_space<vmem>> -> memref<1x128xi32, #tpu.memory_space<vmem>>
      %dma_start3A_10 = tpu.memref_squeeze %dma_start3A_9 : memref<1x128xi32, #tpu.memory_space<vmem>> -> memref<128xi32, #tpu.memory_space<vmem>>
      %dma_start3A_11 = arith.constant 0 : i32
      %dma_start3A_12 = arith.constant 0 : i32
      %dma_start3A_13 = tpu.memref_slice %arg2[%dma_start3A_11, %dma_start3A_12] : memref<100000x512xf32, #tpu.memory_space<hbm>> -> memref<100000x512xf32, #tpu.memory_space<hbm>>
      tpu.enqueue_indirect_dma source(%dma_start3A_13 : memref<100000x512xf32, #tpu.memory_space<hbm>>) target(%arg6 : memref<128x512xf32, #tpu.memory_space<vmem>>) offsets(%dma_start3A_10 : memref<128xi32, #tpu.memory_space<vmem>>) semaphore(%arg7 : memref<!tpu.dma_semaphore, #tpu.memory_space<semaphore_mem>>)
      %dma_wait3A = arith.constant 0 : i32
      %dma_wait3A_14 = tpu.memref_slice %arg5[%scan3A_8, %dma_wait3A] : memref<56x128xi32, #tpu.memory_space<vmem>> -> memref<1x128xi32, #tpu.memory_space<vmem>>
      %dma_wait3A_15 = tpu.memref_squeeze %dma_wait3A_14 : memref<1x128xi32, #tpu.memory_space<vmem>> -> memref<128xi32, #tpu.memory_space<vmem>>
      %dma_wait3A_16 = arith.constant 0 : i32
      %dma_wait3A_17 = arith.constant 0 : i32
      %dma_wait3A_18 = tpu.memref_slice %arg2[%dma_wait3A_16, %dma_wait3A_17] : memref<100000x512xf32, #tpu.memory_space<hbm>> -> memref<100000x512xf32, #tpu.memory_space<hbm>>
      tpu.wait_indirect_dma semaphore(%arg7 : memref<!tpu.dma_semaphore, #tpu.memory_space<semaphore_mem>>) src(%dma_wait3A_18 : memref<100000x512xf32, #tpu.memory_space<hbm>>) dst(%arg6 : memref<128x512xf32, #tpu.memory_space<vmem>>)
      %mul3A_19 = arith.constant 128 : i32
      %mul3A_20 = arith.muli %scan3A_8, %mul3A_19 : i32
      %add3A_21 = arith.addi %mul3A_2, %mul3A_20 : i32
      "tpu.region"() ({
        %run_scoped3A = tpu.sem_alloc : memref<!tpu.dma_semaphore, #tpu.memory_space<semaphore_mem>>
        %dma_start3A_22 = arith.constant 0 : i32
        %dma_start3A_23 = tpu.memref_slice %arg4[%add3A_21, %dma_start3A_22] : memref<229376x512xf32, #tpu.memory_space<hbm>> -> memref<128x512xf32, #tpu.memory_space<hbm>>
        %dma_start3A_24 = arith.constant 0 : i32
        %dma_start3A_25 = tpu.memref_slice %arg4[%add3A_21, %dma_start3A_24] : memref<229376x512xf32, #tpu.memory_space<hbm>> -> memref<128x512xf32, #tpu.memory_space<hbm>>
        tpu.enqueue_dma source(%arg6 : memref<128x512xf32, #tpu.memory_space<vmem>>) target(%dma_start3A_25 : memref<128x512xf32, #tpu.memory_space<hbm>>) target_semaphore(%run_scoped3A : memref<!tpu.dma_semaphore, #tpu.memory_space<semaphore_mem>>)
        %dma_wait3A_26 = arith.constant 0 : i32
        %dma_wait3A_27 = tpu.memref_slice %arg4[%add3A_21, %dma_wait3A_26] : memref<229376x512xf32, #tpu.memory_space<hbm>> -> memref<128x512xf32, #tpu.memory_space<hbm>>
        %dma_wait3A_28 = arith.constant 0 : i32
        %dma_wait3A_29 = tpu.memref_slice %arg4[%add3A_21, %dma_wait3A_28] : memref<229376x512xf32, #tpu.memory_space<hbm>> -> memref<128x512xf32, #tpu.memory_space<hbm>>
        tpu.wait_dma2 semaphore(%run_scoped3A : memref<!tpu.dma_semaphore, #tpu.memory_space<semaphore_mem>>) src(%arg6 : memref<128x512xf32, #tpu.memory_space<vmem>>) dst(%dma_wait3A_29 : memref<128x512xf32, #tpu.memory_space<hbm>>)
        tpu.yield
      }) : () -> ()
    }
    %scan3A_7 = arith.constant 56 : i32
    return
  }
}

module attributes {stable_mosaic.version = 14 : i64} {
  func.func @_project_ln_body(%arg0: i32, %arg1: memref<2000x128xf32, #tpu.memory_space<vmem>>, %arg2: memref<512x128xf32, #tpu.memory_space<vmem>>, %arg3: memref<1x512xf32, #tpu.memory_space<vmem>>, %arg4: memref<1x512xf32, #tpu.memory_space<vmem>>, %arg5: memref<1x512xf32, #tpu.memory_space<vmem>>, %arg6: memref<2000x512xf32, #tpu.memory_space<vmem>>) attributes {dimension_semantics = [#tpu.dimension_semantics<arbitrary>], iteration_bounds = array<i64: 50>, scalar_prefetch = 0 : i64, scratch_operands = 0 : i64, tpu.core_type = #tpu.core_type<tc>, window_params = [{transform_indices = @transform_0, window_bounds = array<i64: 2000, 128>}, {pipeline_mode = #tpu.pipeline_mode<synchronous>, transform_indices = @transform_1, window_bounds = array<i64: 512, 128>}, {pipeline_mode = #tpu.pipeline_mode<synchronous>, transform_indices = @transform_2, window_bounds = array<i64: 1, 512>}, {pipeline_mode = #tpu.pipeline_mode<synchronous>, transform_indices = @transform_3, window_bounds = array<i64: 1, 512>}, {pipeline_mode = #tpu.pipeline_mode<synchronous>, transform_indices = @transform_4, window_bounds = array<i64: 1, 512>}, {transform_indices = @transform_5, window_bounds = array<i64: 2000, 512>}]} {
    %get3A = arith.constant 0 : index
    %get3A_0 = arith.constant 0 : index
    %get3A_1 = vector.load %arg1[%get3A, %get3A_0] : memref<2000x128xf32, #tpu.memory_space<vmem>>, vector<2000x128xf32>
    %get3A_2 = arith.constant 0 : index
    %get3A_3 = arith.constant 0 : index
    %get3A_4 = vector.load %arg2[%get3A_2, %get3A_3] : memref<512x128xf32, #tpu.memory_space<vmem>>, vector<512x128xf32>
    %dot_general3A = arith.constant dense<0.000000e+00> : vector<2000x512xf32>
    %dot_general3A_5 = tpu.matmul %get3A_1, %get3A_4, %dot_general3A {dimension_numbers = #tpu.dot_dimension_numbers<[1], [1], [0], [0], [0, 0, 1, 0], [], []>, transpose_lhs_hint = false} : vector<2000x128xf32>, vector<512x128xf32>, vector<2000x512xf32> -> vector<2000x512xf32>
    %get3A_6 = arith.constant 0 : index
    %get3A_7 = arith.constant 0 : index
    %get3A_8 = vector.load %arg3[%get3A_6, %get3A_7] : memref<1x512xf32, #tpu.memory_space<vmem>>, vector<1x512xf32>
    %add3A = vector.broadcast %get3A_8 : vector<1x512xf32> to vector<2000x512xf32>
    %add3A_9 = arith.addf %dot_general3A_5, %add3A : vector<2000x512xf32>
    %reduce_sum3A = arith.constant dense<0.000000e+00> : vector<2000xf32>
    %reduce_sum3A_10 = vector.multi_reduction <add>, %add3A_9, %reduce_sum3A [1] : vector<2000x512xf32> to vector<2000xf32>
    %broadcast_in_dim3A = vector.shape_cast %reduce_sum3A_10 : vector<2000xf32> to vector<2000x1xf32>
    %div3A = arith.constant 5.120000e+02 : f32
    %div3A_11 = vector.broadcast %div3A : f32 to vector<2000x1xf32>
    %div3A_12 = arith.divf %broadcast_in_dim3A, %div3A_11 : vector<2000x1xf32>
    %sub3A = vector.broadcast %div3A_12 : vector<2000x1xf32> to vector<2000x512xf32>
    %sub3A_13 = arith.subf %add3A_9, %sub3A : vector<2000x512xf32>
    %integer_pow3A = arith.mulf %sub3A_13, %sub3A_13 : vector<2000x512xf32>
    %reduce_sum3A_14 = arith.constant dense<0.000000e+00> : vector<2000xf32>
    %reduce_sum3A_15 = vector.multi_reduction <add>, %integer_pow3A, %reduce_sum3A_14 [1] : vector<2000x512xf32> to vector<2000xf32>
    %broadcast_in_dim3A_16 = vector.shape_cast %reduce_sum3A_15 : vector<2000xf32> to vector<2000x1xf32>
    %div3A_17 = arith.constant 5.120000e+02 : f32
    %div3A_18 = vector.broadcast %div3A_17 : f32 to vector<2000x1xf32>
    %div3A_19 = arith.divf %broadcast_in_dim3A_16, %div3A_18 : vector<2000x1xf32>
    %sub3A_20 = vector.broadcast %div3A_12 : vector<2000x1xf32> to vector<2000x512xf32>
    %sub3A_21 = arith.subf %add3A_9, %sub3A_20 : vector<2000x512xf32>
    %add3A_22 = arith.constant 9.99999974E-6 : f32
    %add3A_23 = vector.broadcast %add3A_22 : f32 to vector<2000x1xf32>
    %add3A_24 = arith.addf %div3A_19, %add3A_23 : vector<2000x1xf32>
    %rsqrt3A = math.rsqrt %add3A_24 : vector<2000x1xf32>
    %mul3A = vector.broadcast %rsqrt3A : vector<2000x1xf32> to vector<2000x512xf32>
    %mul3A_25 = arith.mulf %sub3A_21, %mul3A : vector<2000x512xf32>
    %get3A_26 = arith.constant 0 : index
    %get3A_27 = arith.constant 0 : index
    %get3A_28 = vector.load %arg4[%get3A_26, %get3A_27] : memref<1x512xf32, #tpu.memory_space<vmem>>, vector<1x512xf32>
    %mul3A_29 = vector.broadcast %get3A_28 : vector<1x512xf32> to vector<2000x512xf32>
    %mul3A_30 = arith.mulf %mul3A_25, %mul3A_29 : vector<2000x512xf32>
    %get3A_31 = arith.constant 0 : index
    %get3A_32 = arith.constant 0 : index
    %get3A_33 = vector.load %arg5[%get3A_31, %get3A_32] : memref<1x512xf32, #tpu.memory_space<vmem>>, vector<1x512xf32>
    %add3A_34 = vector.broadcast %get3A_33 : vector<1x512xf32> to vector<2000x512xf32>
    %add3A_35 = arith.addf %mul3A_30, %add3A_34 : vector<2000x512xf32>
    %swap3A = arith.constant 0 : index
    %swap3A_36 = arith.constant 0 : index
    %swap3A_37 = vector.load %arg6[%swap3A, %swap3A_36] : memref<2000x512xf32, #tpu.memory_space<vmem>>, vector<2000x512xf32>
    tpu.vector_store %arg6[%swap3A, %swap3A_36], %add3A_35 {strides = array<i32>} : memref<2000x512xf32, #tpu.memory_space<vmem>>, vector<2000x512xf32>,
    return
  }
  func.func @transform_0(%arg0: i32) -> (i32, i32) {
    %c0_i32 = arith.constant 0 : i32
    %c0_i32_0 = arith.constant 0 : i32
    return %arg0, %c0_i32 : i32, i32
  }
  func.func @transform_1(%arg0: i32) -> (i32, i32) {
    %c0_i32 = arith.constant 0 : i32
    %c0_i32_0 = arith.constant 0 : i32
    %c0_i32_1 = arith.constant 0 : i32
    return %c0_i32, %c0_i32_0 : i32, i32
  }
  func.func @transform_2(%arg0: i32) -> (i32, i32) {
    %c0_i32 = arith.constant 0 : i32
    %c0_i32_0 = arith.constant 0 : i32
    %c0_i32_1 = arith.constant 0 : i32
    return %c0_i32, %c0_i32_0 : i32, i32
  }
  func.func @transform_3(%arg0: i32) -> (i32, i32) {
    %c0_i32 = arith.constant 0 : i32
    %c0_i32_0 = arith.constant 0 : i32
    %c0_i32_1 = arith.constant 0 : i32
    return %c0_i32, %c0_i32_0 : i32, i32
  }
  func.func @transform_4(%arg0: i32) -> (i32, i32) {
    %c0_i32 = arith.constant 0 : i32
    %c0_i32_0 = arith.constant 0 : i32
    %c0_i32_1 = arith.constant 0 : i32
    return %c0_i32, %c0_i32_0 : i32, i32
  }
  func.func @transform_5(%arg0: i32) -> (i32, i32) {
    %c0_i32 = arith.constant 0 : i32
    %c0_i32_0 = arith.constant 0 : i32
    return %arg0, %c0_i32 : i32, i32
  }
}

</mosaic_0001>

<sc_bundles>
// kernel: kernel.4.cloned.1.call-start
scs
__scs_entry_jumppad:
0x0: {  	(pc) =	sbr.rel $0x88, $3  }
0x1: {  	(tag) =	ssettag $0x0;
	lr =	simm.s32 $0x1  }
0x2: {  	[smem:$0x3F9B] =	sst lr;
	_ =	strace $0xD0000000  }
0x3: {  	_ = 	snop  }
0x4: {  	_ = 	snop  }
0x5: {  	_ = 	snop  }
0x6: {  	_ = 	snop  }
0x7: {  	_ = 	snop  }
__scs_overlays_trampoline_lowered:
0x8: {  	[smem:$0x3FAA] =	sst s0  }
0x9: {  	[smem:$0x3FAB] =	sst s1  }
0xa: {  	[smem:$0x3FAC] =	sst s2  }
0xb: {  	[smem:$0x3FAD] =	sst s3  }
0xc: {  	[smem:$0x3FAE] =	sst s4  }
0xd: {  	[smem:$0x3FAF] =	sst s5  }
0xe: {  	[smem:$0x3FB0] =	sst s6  }
0xf: {  	[smem:$0x3FB1] =	sst s7  }
0x10: {  	[smem:$0x3FB2] =	sst s8  }
0x11: {  	[smem:$0x3FB3] =	sst s9;
	s0 =	simm.s32 @!p0 $0x0  }
0x12: {  	s1 =	sld [smem:$0x3F99];
	s0 =	simm.s32 @p0 $0x1  }
0x13: {  	[smem:$0x3FB4] =	sst s0;
	s0 =	simm.s32 @!p1 $0x0  }
0x14: {  	s2 =	sld [smem:$0x3F98];
	s0 =	simm.s32 @p1 $0x1  }
0x15: {  	[smem:$0x3FB5] =	sst s0;
	s0 =	simm.s32 @!p2 $0x0  }
0x16: {  	s3 =	sld [smem:$0x3FDB];
	s0 =	simm.s32 @p2 $0x1  }
0x17: {  	s4 =	simm.s32 $0x1BF5;
	[smem:$0x3FB7] =	sst s0  }
0x18: {  	s0 =	sld [smem:$0x3F9A];
	_ =	swait.ge [sflag:s4], $0x0  }
0x19: {  	s7 =	sld [smem:$0x3F9B]  }
0x1a: {  	s8 =	sadd.s32 $0xFFFFE003, lr  }
0x1b: {  	s9 =	sadd.s32 $0xFFFFFEF7, lr;
	s5 =	simm.s32 $0xFFFFFFFF;
	p2 =	slt.u32 s8, $0xFFFFF086  }
0x1c: {  	p1 =	slt.u32 s9, $0xF7A;
	s5 =	simm.s32 @!p2 $0x0  }
0x1d: {  	s5 =	simm.s32 @p1 $0x1;
	p0 =	seq.s32 s7, s2  }
0x1e: {  	s7 =	smul.u32 @!p0 $0xF7A, s2;
	p2 =	seq.s32 @!p0 s5, $0x0  }
0x1f: {  	s9 =	smul.u32 $0xF7A, s1;
	s8 =	simm.s32 @!p0 $0x1BF5;
	p2 =	por !p2, p0  }
0x20: {  	[sflag:s8] =	ssyncset.s32 @!p0 $0xFFFFF086;
	s6 =	sadd.s32 @!p0 s3, s7;
	s7 =	simm.s32 @!p0 $0x108  }
0x21: {  	s3 =	sadd.s32 s3, s9;
	s6 =	sadd.s32 @!p0 $0x88, s6;
	s7 =	simm.s32 @p2 $0x1082  }
0x22: {  	[simem:s7], [sflag:s8] =	dma.local @!p0 [hbm:s6], $0xF7A  }
0x23: {  	s9 =	sor.u32 $0xD0000000, s2;
	s6 =	simm.s32 $0x108;
	_ =	swait.ge @!p0 [sflag:s8], $0x0  }
0x24: {  	s3 =	sadd.s32 $0x88, s3;
	s6 =	simm.s32 @!p1 $0x1082;
	[sflag:s4] =	ssyncset.s32 $0xFFFFF086  }
0x25: {  	[simem:s6], [sflag:s4] =	dma.local [hbm:s3], $0xF7A  }
0x26: {  	[smem:$0x3F9B] =	sst s1;
	(tag) =	ssettag s2;
	_ =	strace s9  }
0x27: {  	s1 =	sld [smem:$0x3FAB]  }
0x28: {  	s2 =	sld [smem:$0x3FAC]  }
0x29: {  	s4 =	sld [smem:$0x3FAE]  }
0x2a: {  	p0 =	seq.s32 s5, $0x0;
	s5 =	sld [smem:$0x3FAF]  }
0x2b: {  	s6 =	sld [smem:$0x3FB0]  }
0x2c: {  	s7 =	sld [smem:$0x3FB1]  }
0x2d: {  	s3 =	simm.s32 $0x108;
	s8 =	sld [smem:$0x3FB2]  }
0x2e: {  	s3 =	simm.s32 @!p0 $0x1082;
	s9 =	sld [smem:$0x3FB3]  }
0x2f: {  	lr =	sadd.s32 s0, s3;
	s0 =	sld [smem:$0x3FAA]  }
0x30: {  	s3 =	sld [smem:$0x3FAD]  }
0x31: {  	[smem:$0x3FB6] =	sst s10  }
0x32: {  	s10 =	sld [smem:$0x3FB4];
	_ =	sdelay $0x3  }
0x33: {  	p0 =	seq.s32 s10, $0x1;
	s10 =	sld [smem:$0x3FB6];
	_ =	sdelay $0x3  }
0x34: {  	[smem:$0x3FB6] =	sst s10  }
0x35: {  	s10 =	sld [smem:$0x3FB5];
	_ =	sdelay $0x3  }
0x36: {  	p1 =	seq.s32 s10, $0x1;
	s10 =	sld [smem:$0x3FB6];
	_ =	sdelay $0x3  }
0x37: {  	[smem:$0x3FB6] =	sst s10  }
0x38: {  	s10 =	sld [smem:$0x3FB7]  }
0x39: {  	_ = 	snop;
	(pc) =	sbr.ind lr, $3  }
0x3a: {  	_ = 	snop  }
0x3b: {  	_ = 	snop  }
0x3c: {  	p2 =	seq.s32 s10, $0x1;
	s10 =	sld [smem:$0x3FB6]  }
0x3d: {  	_ =	shalt  }
0x3e: {  	_ =	shalt  }
0x3f: {  	_ =	shalt  }
0x40: {  	_ =	shalt  }
0x41: {  	_ =	shalt  }
0x42: {  	_ =	shalt  }
0x43: {  	_ =	shalt  }
0x44: {  	_ =	shalt  }
0x45: {  	_ =	shalt  }
0x46: {  	_ =	shalt  }
0x47: {  	_ =	shalt  }
0x48: {  	_ =	shalt  }
0x49: {  	_ =	shalt  }
0x4a: {  	_ =	shalt  }
0x4b: {  	_ =	shalt  }
0x4c: {  	_ =	shalt  }
0x4d: {  	_ =	shalt  }
0x4e: {  	_ =	shalt  }
0x4f: {  	_ =	shalt  }
0x50: {  	_ =	shalt  }
0x51: {  	_ =	shalt  }
0x52: {  	_ =	shalt  }
0x53: {  	_ =	shalt  }
0x54: {  	_ =	shalt  }
0x55: {  	_ =	shalt  }
0x56: {  	_ =	shalt  }
0x57: {  	_ =	shalt  }
0x58: {  	_ =	shalt  }
0x59: {  	_ =	shalt  }
0x5a: {  	_ =	shalt  }
0x5b: {  	_ =	shalt  }
0x5c: {  	_ =	shalt  }
0x5d: {  	_ =	shalt  }
0x5e: {  	_ =	shalt  }
0x5f: {  	_ =	shalt  }
0x60: {  	_ =	shalt  }
0x61: {  	_ =	shalt  }
0x62: {  	_ =	shalt  }
0x63: {  	_ =	shalt  }
0x64: {  	_ =	shalt  }
0x65: {  	_ =	shalt  }
0x66: {  	_ =	shalt  }
0x67: {  	_ =	shalt  }
0x68: {  	_ =	shalt  }
0x69: {  	_ =	shalt  }
0x6a: {  	_ =	shalt  }
0x6b: {  	_ =	shalt  }
0x6c: {  	_ =	shalt  }
0x6d: {  	_ =	shalt  }
0x6e: {  	_ =	shalt  }
0x6f: {  	_ =	shalt  }
0x70: {  	_ =	shalt  }
0x71: {  	_ =	shalt  }
0x72: {  	_ =	shalt  }
0x73: {  	_ =	shalt  }
0x74: {  	_ =	shalt  }
0x75: {  	_ =	shalt  }
0x76: {  	_ =	shalt  }
0x77: {  	_ =	shalt  }
0x78: {  	_ =	shalt  }
0x79: {  	_ =	shalt  }
0x7a: {  	_ =	shalt  }
0x7b: {  	_ =	shalt  }
0x7c: {  	_ =	shalt  }
0x7d: {  	_ =	shalt  }
0x7e: {  	_ =	shalt  }
0x7f: {  	_ =	shalt  }
0x80: {  	_ =	shalt  }
0x81: {  	_ =	shalt  }
0x82: {  	_ =	shalt  }
0x83: {  	_ =	shalt  }
0x84: {  	_ =	shalt  }
0x85: {  	_ =	shalt  }
0x86: {  	_ =	shalt  }
0x87: {  	_ =	shalt  }
.Lfunc_end0:
.L_simem_size_0:
called_computation.1_lowered:
.L_overlay_start_0:
0x88: {  	s2 =	sld [smem:$0x3FD9]  }
0x89: {  	s3 =	sld [smem:$0x3FFE];
	_ =	sdelay $0x1  }
0x8a: {  	s1 =	srdreg.scid  }
0x8b: {  	s0 =	sand.u32 $0x1, s1  }
0x8c: {  	s17 =	sshll.u32 s0, $0xA;
	s2 =	sadd.s32 s3, s2  }
0x8d: {  	s2 =	sadd.s32 s2, s17  }
0x8e: {  	[smem:$0x3FC2] =	sst s2  }
0x8f: {  	_ = 	snop  }
0x90: {  	s2 =	sld [smem:$0x3FD0];
	(tm) =	ssettm $0x1  }
0x91: {  	s18 =	sld [smem:$0x3FFB];
	_ =	sdelay $0x3  }
0x92: {  	_ =	strace s18  }
0x93: {  	s3 =	sld [smem:$0x3FFC];
	_ =	sdelay $0x3  }
0x94: {  	_ =	strace s3  }
0x95: {  	s3 =	sld [smem:$0x3FFD];
	_ =	sdelay $0x3  }
0x96: {  	_ =	strace s3  }
0x97: {  	_ =	strace $0x8FFFFFFF  }
0x98: {  	s19 =	sld [smem:$0x3FDB];
	_ =	sdelay $0x1  }
0x99: {  	s4 =	simm.s32 $_scs_section_size  }
0x9a: {  	s5 =	simm.s32 $_size__tile_overlayer_lowered;
	s6 =	simm.s32 $_tile_overlayer_lowered  }
0x9b: {  	s22 =	simm.s32 $0x1BFF;
	s21 =	sshll.u32 s6, $0x1;
	s3 =	sadd.s32 s4, s19  }
0x9c: {  	s7 =	simm.s32 $0x0;
	s20 =	sshll.u32 s5, $0x1;
	s5 =	sadd.s32 s21, s3  }
0x9d: {  	[timem:s7], [sflag:s22] =	dma.local [hbm:s5], s20  }
0x9e: {  	_ =	swait.ge [sflag:s22], s20  }
0x9f: {  	s4 =	ssub.s32 $0x0, s20;
	[sflag:s22] =	ssyncset.done $0x0  }
0xa0: {  	[sflag:s22] =	ssyncadd.s32 s4;
	_ =	sdelay $0x1  }
0xa1: {  	s23 =	simm.s32 $0x1B8B  }
0xa2: {  	_ =	swait.ge [sflag:s23], $0x1  }
0xa3: {  	[sflag:s23] =	ssyncset.done $0x0  }
0xa4: {  	s25 =	simm.s32 $0x1B8E;
	s24 =	sld [smem:$0x3FFE];
	[sflag:s23] =	ssyncadd.s32 $0xFFFFFFFF  }
0xa5: {  	s26 =	simm.s32 $execute0_lowered;
	[smem:$0x3FD2] =	sst s25  }
0xa6: {  	s5 =	sshll.u32 s26, $0x1;
	_ =	strace $0x80000046;
	[dreg:$0x1] =	wrdreg $0xFFFFFFFF  }
0xa7: {  	s28 =	simm.s32 $_size_execute0_lowered;
	s3 =	sadd.s32 s3, s5;
	[dreg:$0x0] =	wrdreg $0x0  }
0xa8: {  	s5 =	sshll.u32 s28, $0x1;
	[dreg:$0x2] =	wrdreg s3  }
0xa9: {  	[dreg:$0x3] =	wrdreg s5  }
0xaa: {  	[dreg:$0x4] =	wrdreg $0xC0  }
0xab: {  	_ =	task [dreg:s7], $0x5FFFF  }
0xac: {  	[dreg:$0x1] =	wrdreg $0xFFFFFFFF  }
0xad: {  	[dreg:$0x0] =	wrdreg $0x60  }
0xae: {  	[dreg:$0x2] =	wrdreg s2  }
0xaf: {  	[dreg:$0x3] =	wrdreg s24  }
0xb0: {  	[dreg:$0x4] =	wrdreg $0x9  }
0xb1: {  	_ =	task.clear_ibuf [dreg:s7], $0x5FFFF;
	_ =	strace $0x90000046  }
0xb2: {  	s29 =	simm.s32 $0x9;
	_ =	strace $0x80000048  }
0xb3: {  	_ =	swait.ge [sflag:s29], $0x1  }
0xb4: {  	[sflag:s29] =	ssyncadd.s32 $0xFFFFFFFF  }
0xb5: {  	_ =	strace $0x90000048  }
0xb6: {  	_ =	sfence  }
0xb7: {  	s30 =	sld [smem:$0x0];
	_ =	sdelay $0x2  }
0xb8: {  	s31 =	sshll.u32 s1, $0xD;
	s1 =	sshrl.u32 s1, $0x2  }
0xb9: {  	s3 =	sand.u32 $0x4000, s31;
	s1 =	sadd.s32 s1, s30  }
0xba: {  	s0 =	sor.u32 s3, s0;
	s1 =	sshll.u32 s1, $0x11  }
0xbb: {  	s0 =	sor.u32 s1, s0  }
0xbc: {  	s0 =	sadd.s32 $0x8F2B, s0  }
0xbd: {  	[sflag:s0] =	ssyncadd.remote.s32 $0x1  }
0xbe: {  	_ =	sfence.sel $0xFFFF  }
0xbf: {  	[dreg:$0x0] =	wrdreg $0xFFFFFFFF;
	(pc) =	sbr.abs _section_cstart, $3  }
0xc0: {  	[dreg:$0x1] =	wrdreg $0xFFFFFFFF  }
0xc1: {  	_ =	task.clear_ibuf [dreg:s7], $0x2FFFF;
	_ =	strace $0x9FFFFFFF  }
0xc2: {  	(tm) =	ssettm $0x7FFFFFFF  }
0xc3: {  	_ =	shalt  }
tec
execute0_lowered:
.L_overlay_start_1:
0x0: {  	(tag) =	ssettag $0x1  }
0x1: {  	s0 =	srdreg.scid;
	s2 =	rddreg [dreg:$0x0]  }
0x2: {  	s6 =	stileid.u32;
	s4 =	rddreg [dreg:$0x1]  }
0x3: {  	s3 =	simm.s32 $0x0;
	s15 =	simm.s32 $0x2400;
	s16 =	simm.s32 $0x2C00  }
0x4: {  	s17 =	simm.s32 $0x3400;
	s18 =	simm.s32 $0x3C00;
	s19 =	simm.s32 $0x4400  }
0x5: {  	s21 =	simm.s32 $0x4C00;
	s22 =	simm.s32 $0x5400;
	[smem:$0x7FF] =	sst s3  }
0x6: {  	s23 =	simm.s32 $0x5C00;
	_ =	strace $0x80000047;
	[dreg:$0x4] =	wrdreg s15  }
0x7: {  	s24 =	simm.s32 $0x6400;
	s25 =	simm.s32 $0x6C00;
	[dreg:$0x5] =	wrdreg s16  }
0x8: {  	s7 =	simm.s32 $0x2;
	s26 =	simm.s32 $0x7400;
	[dreg:$0x6] =	wrdreg s17  }
0x9: {  	s8 =	simm.s32 $0x1C00;
	s9 =	simm.s32 $0x7C00;
	[dreg:$0x7] =	wrdreg s18  }
0xa: {  	s10 =	simm.s32 $0x8400;
	s11 =	simm.s32 $0x8C00;
	[dreg:$0x8] =	wrdreg s19  }
0xb: {  	s12 =	simm.s32 $0x9400;
	s13 =	simm.s32 $0x9C00;
	[dreg:$0x9] =	wrdreg s21  }
0xc: {  	s28 =	simm.s32 $0x10C00;
	s29 =	simm.s32 $0x11400;
	[dreg:$0xa] =	wrdreg s22  }
0xd: {  	s30 =	simm.s32 $0x1;
	s31 =	simm.s32 $0x0;
	[dreg:$0xb] =	wrdreg s23  }
0xe: {  	s0 =	sand.u32 $0x1, s0;
	s1 =	smul.u32 $0xE0000, s6;
	[dreg:$0xc] =	wrdreg s24  }
0xf: {  	s6 =	sshll.u32 s6, $0x1;
	s5 =	smul.u32 $0x70000, s0;
	[dreg:$0xd] =	wrdreg s25  }
0x10: {  	s14 =	sor.u32 s0, s6;
	s0 =	ssub.s32 $0x2, s0;
	[dreg:$0xe] =	wrdreg s26  }
0x11: {  	s15 =	simm.s32 $0xAC00;
	s16 =	simm.s32 $0xB400;
	s17 =	simm.s32 $0xBC00  }
0x12: {  	s18 =	simm.s32 $0xC400;
	s19 =	simm.s32 $0xCC00;
	s21 =	simm.s32 $0xDC00  }
0x13: {  	s22 =	simm.s32 $0xE400;
	s23 =	simm.s32 $0xEC00;
	s1 =	sadd.s32 s1, s4  }
0x14: {  	s24 =	simm.s32 $0xF400;
	s1 =	sadd.s32 s5, s1;
	s5 =	smul.u32 $0x1C00, s14  }
0x15: {  	s25 =	simm.s32 $0xFC00;
	s26 =	simm.s32 $0x10400;
	s20 =	sshrl.u32 s0, $0x1  }
0x16: {  	s0 =	ssub.s32 s0, s20;
	s1 =	sadd.s32 $0x8000, s1;
	s5 =	sshrl.u32 s5, $0x3  }
0x17: {  	v2 =	vlaneseq.u32;
	s0 =	smax.u32 s0, $0x1;
	[dreg:$0x3] =	wrdreg s1;
	s4 =	sadd.s32 s5, s4  }
0x18: {  	vm0 =	vmmov $0xffff;
	v1 =	vshrl.u32 v2, $0x3;
	s14 =	simm.s32 $0xA400;
	[dreg:$0x10] =	wrdreg s0;
	s4 =	sadd.s32 $0x1000, s4  }
0x19: {  	v0 =	vand.u32 $0x7, v2;
	v2 =	vor.u32 $0x8, v2;
	v1 =	vmul.u32 $0x8, v1;
	s20 =	simm.s32 $0xD400;
	s5 =	sadd.s32 $0x100, s2;
	[dreg:$0xf] =	wrdreg s4  }
.LBB2_1:
0x1a: {  	s0 =	rddreg [dreg:$0xf]  }
0x1b: {  	[tilespmem:s3], [sflag:$0x2] =	stream.linear.gather [hbm4b:s0+s3], $0x1C00, $0x38;
	[tilespmem:$0x11C00] =	vst v63  }
0x1c: {  	_ =	swait.ge [sflag:s7], $0x1C00  }
0x1d: {  	[sflag:s7] =	ssyncset.done $0x0  }
0x1e: {  	s1 =	simm.s32 $0x40;
	s0 =	simm.s32 $0x0;
	[sflag:s7] =	ssyncadd.s32 $0xFFFFE400  }
.LBB2_2:
0x1f: {  	v3 =	vld [tilespmem:s1+$0xFFFFFFC0];
	_ =	sdelay $0x4  }
0x20: {  	v4 =	vshll.u32 v3, $0x2  }
0x21: {  	v3 =	vand.u32 $0x7, v3;
	v4 =	vand.u32 $0xFFFFFFE0, v4  }
0x22: {  	v3 =	vor.u32 v3, v4  }
0x23: {  	v4 =	vperm.xlane v3, v0;
	_ =	sdelay $0x1  }
0x24: {  	v4 =	vadd.s32 v1, v4;
	_ =	sdelay $0x1  }
0x25: {  	v3 =	vperm.xlane v3, v2;
	_ =	sdelay $0x1  }
0x26: {  	v3 =	vadd.s32 v1, v3  }
0x27: {  	[tilespmem:s8], [sflag:$0x1] =	stream.indirect_vreg.gather [hbm4b:s2+s3], $0x80, v4, vm0, $0xb8;
	[tilespmem:$0x11C00] =	vst v63  }
0x28: {  	s4 =	rddreg [dreg:$0x4]  }
0x29: {  	[tilespmem:s4], [sflag:$0x1] =	stream.indirect_vreg.gather [hbm4b:s5+s3], $0x80, v4, vm0, $0xb8;
	[tilespmem:$0x11C00] =	vst v63  }
0x2a: {  	s6 =	rddreg [dreg:$0x5]  }
0x2b: {  	[tilespmem:s6], [sflag:$0x1] =	stream.indirect_vreg.gather [hbm4b:s2+s3], $0x80, v3, vm0, $0xb8;
	[tilespmem:$0x11C00] =	vst v63  }
0x2c: {  	s4 =	rddreg [dreg:$0x6]  }
0x2d: {  	[tilespmem:s4], [sflag:$0x1] =	stream.indirect_vreg.gather [hbm4b:s5+s3], $0x80, v3, vm0, $0xb8;
	[tilespmem:$0x11C00] =	vst v63  }
0x2e: {  	v3 =	vld [tilespmem:s1+$0xFFFFFFD0];
	_ =	sdelay $0x4  }
0x2f: {  	v57 =	vshll.u32 v3, $0x2  }
0x30: {  	v3 =	vand.u32 $0x7, v3;
	v4 =	vand.u32 $0xFFFFFFE0, v57  }
0x31: {  	v3 =	vor.u32 v3, v4  }
0x32: {  	v4 =	vperm.xlane v3, v0;
	_ =	sdelay $0x1  }
0x33: {  	v4 =	vadd.s32 v1, v4;
	_ =	sdelay $0x1  }
0x34: {  	v3 =	vperm.xlane v3, v2;
	_ =	sdelay $0x1  }
0x35: {  	s4 =	rddreg [dreg:$0x7];
	v3 =	vadd.s32 v1, v3  }
0x36: {  	[tilespmem:s4], [sflag:$0x1] =	stream.indirect_vreg.gather [hbm4b:s2+s3], $0x80, v4, vm0, $0xb8;
	[tilespmem:$0x11C00] =	vst v63  }
0x37: {  	s6 =	rddreg [dreg:$0x8]  }
0x38: {  	[tilespmem:s6], [sflag:$0x1] =	stream.indirect_vreg.gather [hbm4b:s5+s3], $0x80, v4, vm0, $0xb8;
	[tilespmem:$0x11C00] =	vst v63  }
0x39: {  	s4 =	rddreg [dreg:$0x9]  }
0x3a: {  	[tilespmem:s4], [sflag:$0x1] =	stream.indirect_vreg.gather [hbm4b:s2+s3], $0x80, v3, vm0, $0xb8;
	[tilespmem:$0x11C00] =	vst v63  }
0x3b: {  	s6 =	rddreg [dreg:$0xa]  }
0x3c: {  	[tilespmem:s6], [sflag:$0x1] =	stream.indirect_vreg.gather [hbm4b:s5+s3], $0x80, v3, vm0, $0xb8;
	[tilespmem:$0x11C00] =	vst v63  }
0x3d: {  	v3 =	vld [tilespmem:s1+$0xFFFFFFE0];
	_ =	sdelay $0x4  }
0x3e: {  	v58 =	vshll.u32 v3, $0x2  }
0x3f: {  	v3 =	vand.u32 $0x7, v3;
	v4 =	vand.u32 $0xFFFFFFE0, v58  }
0x40: {  	v3 =	vor.u32 v3, v4  }
0x41: {  	v4 =	vperm.xlane v3, v0;
	_ =	sdelay $0x1  }
0x42: {  	v4 =	vadd.s32 v1, v4;
	_ =	sdelay $0x1  }
0x43: {  	v3 =	vperm.xlane v3, v2;
	_ =	sdelay $0x1  }
0x44: {  	s4 =	rddreg [dreg:$0xb];
	v3 =	vadd.s32 v1, v3  }
0x45: {  	[tilespmem:s4], [sflag:$0x1] =	stream.indirect_vreg.gather [hbm4b:s2+s3], $0x80, v4, vm0, $0xb8;
	[tilespmem:$0x11C00] =	vst v63  }
0x46: {  	s6 =	rddreg [dreg:$0xc]  }
0x47: {  	[tilespmem:s6], [sflag:$0x1] =	stream.indirect_vreg.gather [hbm4b:s5+s3], $0x80, v4, vm0, $0xb8;
	[tilespmem:$0x11C00] =	vst v63  }
0x48: {  	s4 =	rddreg [dreg:$0xd]  }
0x49: {  	[tilespmem:s4], [sflag:$0x1] =	stream.indirect_vreg.gather [hbm4b:s2+s3], $0x80, v3, vm0, $0xb8;
	[tilespmem:$0x11C00] =	vst v63  }
0x4a: {  	s6 =	rddreg [dreg:$0xe]  }
0x4b: {  	[tilespmem:s6], [sflag:$0x1] =	stream.indirect_vreg.gather [hbm4b:s5+s3], $0x80, v3, vm0, $0xb8;
	[tilespmem:$0x11C00] =	vst v63  }
0x4c: {  	v3 =	vld [tilespmem:s1+$0xFFFFFFF0];
	_ =	sdelay $0x4  }
0x4d: {  	v59 =	vshll.u32 v3, $0x2  }
0x4e: {  	v3 =	vand.u32 $0x7, v3;
	v4 =	vand.u32 $0xFFFFFFE0, v59  }
0x4f: {  	v3 =	vor.u32 v3, v4  }
0x50: {  	v4 =	vperm.xlane v3, v0;
	_ =	sdelay $0x1  }
0x51: {  	v4 =	vadd.s32 v1, v4;
	_ =	sdelay $0x1  }
0x52: {  	v3 =	vperm.xlane v3, v2;
	_ =	sdelay $0x1  }
0x53: {  	v3 =	vadd.s32 v1, v3  }
0x54: {  	[tilespmem:s9], [sflag:$0x1] =	stream.indirect_vreg.gather [hbm4b:s2+s3], $0x80, v4, vm0, $0xb8;
	[tilespmem:$0x11C00] =	vst v63  }
0x55: {  	_ = 	snop  }
0x56: {  	[tilespmem:s10], [sflag:$0x1] =	stream.indirect_vreg.gather [hbm4b:s5+s3], $0x80, v4, vm0, $0xb8;
	[tilespmem:$0x11C00] =	vst v63  }
0x57: {  	_ = 	snop  }
0x58: {  	[tilespmem:s11], [sflag:$0x1] =	stream.indirect_vreg.gather [hbm4b:s2+s3], $0x80, v3, vm0, $0xb8;
	[tilespmem:$0x11C00] =	vst v63  }
0x59: {  	_ = 	snop  }
0x5a: {  	[tilespmem:s12], [sflag:$0x1] =	stream.indirect_vreg.gather [hbm4b:s5+s3], $0x80, v3, vm0, $0xb8;
	[tilespmem:$0x11C00] =	vst v63  }
0x5b: {  	v3 =	vld [tilespmem:s1+$0x0];
	_ =	sdelay $0x4  }
0x5c: {  	v60 =	vshll.u32 v3, $0x2  }
0x5d: {  	v3 =	vand.u32 $0x7, v3;
	v4 =	vand.u32 $0xFFFFFFE0, v60  }
0x5e: {  	v3 =	vor.u32 v3, v4  }
0x5f: {  	v4 =	vperm.xlane v3, v0;
	_ =	sdelay $0x1  }
0x60: {  	v4 =	vadd.s32 v1, v4;
	_ =	sdelay $0x1  }
0x61: {  	v3 =	vperm.xlane v3, v2;
	_ =	sdelay $0x1  }
0x62: {  	v3 =	vadd.s32 v1, v3  }
0x63: {  	[tilespmem:s13], [sflag:$0x1] =	stream.indirect_vreg.gather [hbm4b:s2+s3], $0x80, v4, vm0, $0xb8;
	[tilespmem:$0x11C00] =	vst v63  }
0x64: {  	_ = 	snop  }
0x65: {  	[tilespmem:s14], [sflag:$0x1] =	stream.indirect_vreg.gather [hbm4b:s5+s3], $0x80, v4, vm0, $0xb8;
	[tilespmem:$0x11C00] =	vst v63  }
0x66: {  	_ = 	snop  }
0x67: {  	[tilespmem:s15], [sflag:$0x1] =	stream.indirect_vreg.gather [hbm4b:s2+s3], $0x80, v3, vm0, $0xb8;
	[tilespmem:$0x11C00] =	vst v63  }
0x68: {  	_ = 	snop  }
0x69: {  	[tilespmem:s16], [sflag:$0x1] =	stream.indirect_vreg.gather [hbm4b:s5+s3], $0x80, v3, vm0, $0xb8;
	[tilespmem:$0x11C00] =	vst v63  }
0x6a: {  	v3 =	vld [tilespmem:s1+$0x10];
	_ =	sdelay $0x4  }
0x6b: {  	v61 =	vshll.u32 v3, $0x2  }
0x6c: {  	v3 =	vand.u32 $0x7, v3;
	v4 =	vand.u32 $0xFFFFFFE0, v61  }
0x6d: {  	v3 =	vor.u32 v3, v4  }
0x6e: {  	v4 =	vperm.xlane v3, v0;
	_ =	sdelay $0x1  }
0x6f: {  	v4 =	vadd.s32 v1, v4;
	_ =	sdelay $0x1  }
0x70: {  	v3 =	vperm.xlane v3, v2;
	_ =	sdelay $0x1  }
0x71: {  	v3 =	vadd.s32 v1, v3  }
0x72: {  	[tilespmem:s17], [sflag:$0x1] =	stream.indirect_vreg.gather [hbm4b:s2+s3], $0x80, v4, vm0, $0xb8;
	[tilespmem:$0x11C00] =	vst v63  }
0x73: {  	_ = 	snop  }
0x74: {  	[tilespmem:s18], [sflag:$0x1] =	stream.indirect_vreg.gather [hbm4b:s5+s3], $0x80, v4, vm0, $0xb8;
	[tilespmem:$0x11C00] =	vst v63  }
0x75: {  	_ = 	snop  }
0x76: {  	[tilespmem:s19], [sflag:$0x1] =	stream.indirect_vreg.gather [hbm4b:s2+s3], $0x80, v3, vm0, $0xb8;
	[tilespmem:$0x11C00] =	vst v63  }
0x77: {  	_ = 	snop  }
0x78: {  	[tilespmem:s20], [sflag:$0x1] =	stream.indirect_vreg.gather [hbm4b:s5+s3], $0x80, v3, vm0, $0xb8;
	[tilespmem:$0x11C00] =	vst v63  }
0x79: {  	v3 =	vld [tilespmem:s1+$0x20];
	_ =	sdelay $0x4  }
0x7a: {  	v62 =	vshll.u32 v3, $0x2  }
0x7b: {  	v3 =	vand.u32 $0x7, v3;
	v4 =	vand.u32 $0xFFFFFFE0, v62  }
0x7c: {  	v3 =	vor.u32 v3, v4  }
0x7d: {  	v4 =	vperm.xlane v3, v0;
	_ =	sdelay $0x1  }
0x7e: {  	v4 =	vadd.s32 v1, v4;
	_ =	sdelay $0x1  }
0x7f: {  	v3 =	vperm.xlane v3, v2;
	_ =	sdelay $0x1  }
0x80: {  	v3 =	vadd.s32 v1, v3  }
0x81: {  	[tilespmem:s21], [sflag:$0x1] =	stream.indirect_vreg.gather [hbm4b:s2+s3], $0x80, v4, vm0, $0xb8;
	[tilespmem:$0x11C00] =	vst v63  }
0x82: {  	_ = 	snop  }
0x83: {  	[tilespmem:s22], [sflag:$0x1] =	stream.indirect_vreg.gather [hbm4b:s5+s3], $0x80, v4, vm0, $0xb8;
	[tilespmem:$0x11C00] =	vst v63  }
0x84: {  	_ = 	snop  }
0x85: {  	[tilespmem:s23], [sflag:$0x1] =	stream.indirect_vreg.gather [hbm4b:s2+s3], $0x80, v3, vm0, $0xb8;
	[tilespmem:$0x11C00] =	vst v63  }
0x86: {  	_ = 	snop  }
0x87: {  	[tilespmem:s24], [sflag:$0x1] =	stream.indirect_vreg.gather [hbm4b:s5+s3], $0x80, v3, vm0, $0xb8;
	[tilespmem:$0x11C00] =	vst v63  }
0x88: {  	v3 =	vld [tilespmem:s1+$0x30];
	_ =	sdelay $0x4  }
0x89: {  	v63 =	vshll.u32 v3, $0x2  }
0x8a: {  	v3 =	vand.u32 $0x7, v3;
	v4 =	vand.u32 $0xFFFFFFE0, v63  }
0x8b: {  	v3 =	vor.u32 v3, v4  }
0x8c: {  	v4 =	vperm.xlane v3, v0;
	_ =	sdelay $0x1  }
0x8d: {  	v4 =	vadd.s32 v1, v4;
	_ =	sdelay $0x1  }
0x8e: {  	v3 =	vperm.xlane v3, v2;
	_ =	sdelay $0x1  }
0x8f: {  	v3 =	vadd.s32 v1, v3  }
0x90: {  	[tilespmem:s25], [sflag:$0x1] =	stream.indirect_vreg.gather [hbm4b:s2+s3], $0x80, v4, vm0, $0xb8;
	[tilespmem:$0x11C00] =	vst v63  }
0x91: {  	_ = 	snop  }
0x92: {  	[tilespmem:s26], [sflag:$0x1] =	stream.indirect_vreg.gather [hbm4b:s5+s3], $0x80, v4, vm0, $0xb8;
	[tilespmem:$0x11C00] =	vst v63  }
0x93: {  	_ = 	snop  }
0x94: {  	[tilespmem:s28], [sflag:$0x1] =	stream.indirect_vreg.gather [hbm4b:s2+s3], $0x80, v3, vm0, $0xb8;
	[tilespmem:$0x11C00] =	vst v63  }
0x95: {  	_ = 	snop  }
0x96: {  	[tilespmem:s29], [sflag:$0x1] =	stream.indirect_vreg.gather [hbm4b:s5+s3], $0x80, v3, vm0, $0xb8;
	[tilespmem:$0x11C00] =	vst v63  }
0x97: {  	_ =	swait.ge [sflag:s30], $0x10000  }
0x98: {  	p0 =	sne.s32 s0, $0x6E000;
	s6 =	rddreg [dreg:$0x3];
	[sflag:s30] =	ssyncset.done $0x0  }
.Ltmp0:
0x99: {  	[sflag:s30] =	ssyncadd.s32 $0xFFFF0000;
	s4 =	sadd.s32 s0, s6;
	(pc) =	sbr.rel @p0 .LBB2_2-.Ltmp0, $4  }
0x9a: {  	[hbm4b:s4+s3] =	stream.linear.scatter [tilespmem:s8], [sflag:$0x2], $0x10000, $0x38;
	[tilespmem:$0x11C00] =	vst v63  }
0x9b: {  	_ =	swait.ge [sflag:s7], $0x10000  }
0x9c: {  	[sflag:s7] =	ssyncset.done $0x0  }
0x9d: {  	s1 =	sadd.s32 $0x80, s1;
	s0 =	sadd.s32 $0x2000, s0;
	[sflag:s7] =	ssyncadd.s32 $0xFFFF0000  }
0x9e: {  	s31 =	sadd.s32 $0x1, s31;
	s0 =	rddreg [dreg:$0x10]  }
0x9f: {  	p0 =	sne.s32 s31, s0  }
.Ltmp1:
0xa0: {  	_ = 	snop;
	(pc) =	sbr.rel @p0 .LBB2_1-.Ltmp1, $1  }
0xa1: {  	_ =	sdelay $0x3  }
0xa2: {  	_ =	sfence.sel $0x180000  }
0xa3: {  	[bflag:$0x0] =	sbarrier.arrive $0xFFFF  }
0xa4: {  	_ =	strace $0x90000047  }
0xa5: {  	s0 =	stileid.u32;
	[bflag:$0x2] =	sbarrier.arrive $0xFFFF  }
0xa6: {  	p0 =	sne.s32 s0, $0x0;
	s0 =	rddreg [dreg:$0x2]  }
0xa7: {  	s0 =	sadd.s32 @!p0 $0x100000, s0  }
0xa8: {  	[sflag:s0] =	ssyncadd.tile.s32 @!p0 $0x1;
	_ =	shalt  }
.Lfunc_end2:
_tile_overlayer_lowered:
.L_overlay_start_2:
0xa9: {  	(tag) =	ssettag $0x2  }
0xaa: {  	s0 =	rddreg [dreg:$0x0];
	s2 =	stileid.u32  }
0xab: {  	s1 =	rddreg [dreg:$0x1];
	p0 =	sne.s32 s2, $0x0  }
0xac: {  	s3 =	rddreg [dreg:$0x2];
	[bflag:$0x3] =	sbarrier.arrive $0xFFFF;
	s2 =	simm.s32 @!p0 $0x1C02  }
0xad: {  	[timem:s3], [sflag:s2] =	dma.local @!p0 [hbm:s0], s1  }
0xae: {  	s0 =	simm.s32 @!p0 $0x2  }
0xaf: {  	_ =	swait.ge @!p0 [sflag:s0], s1  }
0xb0: {  	s1 =	ssub.s32 @!p0 $0x0, s1;
	[sflag:s0] =	ssyncset.done @!p0 $0x0  }
0xb1: {  	[sflag:s0] =	ssyncadd.s32 @!p0 s1  }
0xb2: {  	[bflag:$0x3] =	sbarrier.arrive $0xFFFF  }
0xb3: {  	_ =	shalt  }

// kernel: sparse-core-data-format-call.cloned.1.call-start
scs
called_computation_lowered:
.L_overlay_start_0:
0x0: {  	s2 =	sld [smem:$0x3FD9]  }
0x1: {  	s3 =	sld [smem:$0x3FFE];
	_ =	sdelay $0x1  }
0x2: {  	s1 =	srdreg.scid  }
0x3: {  	s0 =	sand.u32 $0x1, s1  }
0x4: {  	s18 =	sshll.u32 s0, $0xA;
	s2 =	sadd.s32 s3, s2  }
0x5: {  	s2 =	sadd.s32 s2, s18  }
0x6: {  	[smem:$0x3FC2] =	sst s2  }
0x7: {  	_ = 	snop  }
0x8: {  	s2 =	sld [smem:$0x3FD0];
	(tm) =	ssettm $0x1  }
0x9: {  	s19 =	sld [smem:$0x3FFB];
	_ =	sdelay $0x3  }
0xa: {  	_ =	strace s19  }
0xb: {  	s3 =	sld [smem:$0x3FFC];
	_ =	sdelay $0x3  }
0xc: {  	_ =	strace s3  }
0xd: {  	s3 =	sld [smem:$0x3FFD];
	_ =	sdelay $0x3  }
0xe: {  	_ =	strace s3  }
0xf: {  	_ =	strace $0x8FFFFFFF  }
0x10: {  	s20 =	sld [smem:$0x3FDB];
	_ =	sdelay $0x1  }
0x11: {  	s4 =	simm.s32 $_scs_section_size  }
0x12: {  	s5 =	simm.s32 $_size__tile_overlayer_lowered;
	s6 =	simm.s32 $_tile_overlayer_lowered  }
0x13: {  	s23 =	simm.s32 $0x1BFF;
	s22 =	sshll.u32 s6, $0x1;
	s3 =	sadd.s32 s4, s20  }
0x14: {  	s7 =	simm.s32 $0x0;
	s21 =	sshll.u32 s5, $0x1;
	s5 =	sadd.s32 s22, s3  }
0x15: {  	[timem:s7], [sflag:s23] =	dma.local [hbm:s5], s21  }
0x16: {  	_ =	swait.ge [sflag:s23], s21  }
0x17: {  	s4 =	ssub.s32 $0x0, s21;
	[sflag:s23] =	ssyncset.done $0x0  }
0x18: {  	[sflag:s23] =	ssyncadd.s32 s4;
	_ =	sdelay $0x1  }
0x19: {  	s24 =	simm.s32 $0x1B8B  }
0x1a: {  	_ =	swait.ge [sflag:s24], $0x1  }
0x1b: {  	[sflag:s24] =	ssyncset.done $0x0  }
0x1c: {  	s26 =	simm.s32 $0x1B8E;
	s25 =	sld [smem:$0x3FFE];
	[sflag:s24] =	ssyncadd.s32 $0xFFFFFFFF  }
0x1d: {  	s27 =	simm.s32 $execute0_lowered;
	[smem:$0x3FD2] =	sst s26  }
0x1e: {  	s5 =	sshll.u32 s27, $0x1;
	_ =	strace $0x80000049;
	[dreg:$0x1] =	wrdreg $0xFFFFFFFF  }
0x1f: {  	s28 =	simm.s32 $_size_execute0_lowered;
	s3 =	sadd.s32 s3, s5;
	[dreg:$0x0] =	wrdreg $0x0  }
0x20: {  	s5 =	sshll.u32 s28, $0x1;
	[dreg:$0x2] =	wrdreg s3  }
0x21: {  	[dreg:$0x3] =	wrdreg s5  }
0x22: {  	[dreg:$0x4] =	wrdreg $0xC0  }
0x23: {  	_ =	task [dreg:s7], $0x5FFFF  }
0x24: {  	[dreg:$0x1] =	wrdreg $0xFFFFFFFF  }
0x25: {  	[dreg:$0x0] =	wrdreg $0x60  }
0x26: {  	[dreg:$0x2] =	wrdreg s25  }
0x27: {  	[dreg:$0x3] =	wrdreg s2  }
0x28: {  	[dreg:$0x4] =	wrdreg $0x9  }
0x29: {  	_ =	task.clear_ibuf [dreg:s7], $0x5FFFF;
	_ =	strace $0x90000049  }
0x2a: {  	s29 =	simm.s32 $0x9;
	_ =	strace $0x8000004B  }
0x2b: {  	_ =	swait.ge [sflag:s29], $0x1  }
0x2c: {  	[sflag:s29] =	ssyncadd.s32 $0xFFFFFFFF  }
0x2d: {  	_ =	strace $0x9000004B  }
0x2e: {  	_ =	sfence  }
0x2f: {  	s30 =	sld [smem:$0x0];
	_ =	sdelay $0x2  }
0x30: {  	s31 =	sshll.u32 s1, $0xD;
	s1 =	sshrl.u32 s1, $0x2  }
0x31: {  	s3 =	sand.u32 $0x4000, s31;
	s1 =	sadd.s32 s1, s30  }
0x32: {  	s0 =	sor.u32 s3, s0;
	s1 =	sshll.u32 s1, $0x11  }
0x33: {  	s0 =	sor.u32 s1, s0  }
0x34: {  	s0 =	sadd.s32 $0x8F2B, s0  }
0x35: {  	[sflag:s0] =	ssyncadd.remote.s32 $0x1  }
0x36: {  	_ =	sfence.sel $0xFFFF  }
0x37: {  	[dreg:$0x0] =	wrdreg $0xFFFFFFFF;
	(pc) =	sbr.abs _section_cstart, $3  }
0x38: {  	[dreg:$0x1] =	wrdreg $0xFFFFFFFF  }
0x39: {  	_ =	task.clear_ibuf [dreg:s7], $0x2FFFF;
	_ =	strace $0x9FFFFFFF  }
0x3a: {  	(tm) =	ssettm $0x7FFFFFFF  }
0x3b: {  	_ =	shalt  }
tec
execute0_lowered:
.L_overlay_start_1:
0x0: {  	(tag) =	ssettag $0x1  }
0x1: {  	s0 =	srdreg.scid  }
0x2: {  	s1 =	sshll.u32 s0, $0x4  }
0x3: {  	s6 =	rddreg [dreg:$0x0];
	s0 =	stileid.u32;
	s1 =	sand.u32 $0x10, s1  }
0x4: {  	s3 =	rddreg [dreg:$0x1];
	s1 =	sor.u32 s0, s1  }
0x5: {  	s5 =	simm.s32 $0x1;
	s31 =	simm.s32 $0x2;
	s2 =	sshll.u32 s1, $0x7  }
0x6: {  	s14 =	simm.s32 $0x0;
	s8 =	simm.s32 $0x1000;
	s4 =	ssub.s32 $0x1000, s2  }
0x7: {  	s9 =	simm.s32 $0x0;
	s15 =	simm.s32 $0x0;
	s30 =	sand.u32 $0xF80, s4  }
0x8: {  	s16 =	simm.s32 $0x0;
	s10 =	simm.s32 $0x0;
	p0 =	sne.s32 s30, $0x0  }
.Ltmp0:
0x9: {  	s7 =	sshrl.u32 s4, $0xC;
	s5 =	simm.s32 @!p0 $0x0;
	(pc) =	sbr.rel .LBB1_1-.Ltmp0, $4  }
0xa: {  	s11 =	simm.s32 $0x0;
	s1 =	rddreg [dreg:$0x2];
	s5 =	sadd.s32 s5, s7  }
0xb: {  	_ =	strace $0x8000004A;
	s4 =	simm.s32 $0x1;
	s5 =	smul.u32 $0xC8, s5  }
0xc: {  	s13 =	simm.s32 $0x0;
	s6 =	sadd.s32 $0x8000, s6;
	[sflag:s4] =	ssyncpa.u1 $0x0  }
0xd: {  	s12 =	smov.u32 s2;
	[sflag:s31] =	ssyncpa.u1 $0x0;
	s7 =	sor.u32 $0x1, s5  }
.LBB1_4:
0xe: {  	_ =	sdelay $0x3  }
0xf: {  	[tilespmem:v0+s19+$0xFFFFFFD0 ss:$0x1] =	vst.idx.msk $0xffff, v6  }
0x10: {  	v56 =	vld.idx.msk [tilespmem:v1+s18+$0x0 ss:$0x1], $0xffff;
	[tilespmem:v0+s19+$0xFFFFFFE0 ss:$0x1] =	vst.idx.msk $0xffff, v4  }
0x11: {  	v57 =	vld.idx.msk [tilespmem:v1+s18+$0xFFFFFF90 ss:$0x1], $0xffff;
	[tilespmem:v0+s19+$0xFFFFFFF0 ss:$0x1] =	vst.idx.msk $0xffff, v2  }
0x12: {  	v58 =	vld.idx.msk [tilespmem:v1+s18+$0xFFFFFFA0 ss:$0x1], $0xffff;
	[tilespmem:v0+s19+$0x0 ss:$0x1] =	vst.idx.msk $0xffff, v3  }
0x13: {  	v59 =	vld.idx.msk [tilespmem:v1+s18+$0xFFFFFFB0 ss:$0x1], $0xffff;
	[tilespmem:v0+s19+$0x10 ss:$0x1] =	vst.idx.msk $0xffff, v5  }
0x14: {  	v60 =	vld.idx.msk [tilespmem:v1+s18+$0xFFFFFFC0 ss:$0x1], $0xffff;
	[tilespmem:v0+s19+$0x20 ss:$0x1] =	vst.idx.msk $0xffff, v7  }
0x15: {  	v61 =	vld.idx.msk [tilespmem:v1+s18+$0xFFFFFFD0 ss:$0x1], $0xffff;
	s27 =	sshll.u32 s16, $0x9;
	[tilespmem:v0+s18+$0x30 ss:$0x1] =	vst.idx.msk $0xffff, v56  }
0x16: {  	s20 =	sshll.u32 s14, $0x3;
	v62 =	vld.idx.msk [tilespmem:v1+s18+$0xFFFFFFE0 ss:$0x1], $0xffff;
	s28 =	sshll.u32 s16, $0x7;
	s30 =	sand.u32 $0x78, s14;
	[tilespmem:v0+s18+$0xFFFFFFC0 ss:$0x1] =	vst.idx.msk $0xffff, v57  }
0x17: {  	v63 =	vld.idx.msk [tilespmem:v1+s18+$0xFFFFFFF0 ss:$0x1], $0xffff;
	s15 =	sshll.u32 s15, $0x12;
	s19 =	sand.u32 $0x1FF000, s27;
	s20 =	sand.u32 $0x1FFC00, s20;
	[tilespmem:v0+s18+$0xFFFFFFD0 ss:$0x1] =	vst.idx.msk $0xffff, v58  }
0x18: {  	s29 =	sand.u32 $0x200, s28;
	s16 =	sand.u32 $0x180, s28;
	s19 =	sadd.s32 s19, s20;
	[tilespmem:v0+s18+$0xFFFFFFE0 ss:$0x1] =	vst.idx.msk $0xffff, v59  }
0x19: {  	s31 =	sand.u32 $0x7, s14;
	s16 =	sor.u32 s16, s30;
	s19 =	sor.u32 s29, s19;
	[tilespmem:v0+s18+$0xFFFFFFF0 ss:$0x1] =	vst.idx.msk $0xffff, v60  }
0x1a: {  	s15 =	sadd.s32 s3, s15;
	s16 =	sshrl.u32 s16, $0x3;
	s19 =	sshrl.u32 s19, $0x3;
	[tilespmem:v0+s18+$0x0 ss:$0x1] =	vst.idx.msk $0xffff, v61  }
0x1b: {  	s14 =	sshll.u32 s31, $0x12;
	s15 =	sadd.s32 s16, s15;
	[tilespmem:v0+s18+$0x10 ss:$0x1] =	vst.idx.msk $0xffff, v62;
	s19 =	sand.u32 $0x3FFC0, s19  }
0x1c: {  	s14 =	sor.u32 $0x400, s14;
	[tilespmem:v0+s18+$0x20 ss:$0x1] =	vst.idx.msk $0xffff, v63;
	s15 =	sadd.s32 s19, s15  }
0x1d: {  	[hbm4b:s15+s14] =	stream.strided.scatter [tilespmem:s17], [sflag:$0x2], $0x4000, s8, s14, $0x38;
	[tilespmem:$0x10000] =	vst v63  }
.LBB1_5:
0x1e: {  	s17 =	sadd.s32 $0x80, s10  }
0x1f: {  	s14 =	simm.s32 $0x1;
	p1 =	sgt.s32 s17, $0x1FF  }
0x20: {  	s14 =	simm.s32 @!p1 $0x0  }
0x21: {  	s18 =	sadd.s32 s14, s11  }
0x22: {  	s20 =	smov.u32 s12;
	s14 =	sadd.s32 $0x1000, s12;
	p2 =	sgt.s32 s18, $0x31  }
0x23: {  	s20 =	smov.u32 @p2 s14  }
0x24: {  	p0 =	slt.u32 s13, $0x2;
	s17 =	simm.s32 @p1 $0x0;
	p1 =	sgt.s32 s20, $0xFFF  }
0x25: {  	s19 =	simm.s32 @!p0 $0x2;
	s20 =	smov.u32 @p1 s2;
	p1 =	sne.s32 s13, s7  }
.Ltmp1:
0x26: {  	_ =	swait.ge @!p0 [sflag:s19], $0x4000;
	(pc) =	sbr.rel @!p1 .LBB1_6-.Ltmp1, $4  }
0x27: {  	s15 =	smov.u32 s11;
	[sflag:s19] =	ssyncset.done @!p0 $0x0  }
0x28: {  	s16 =	smov.u32 s12;
	s9 =	sadd.s32 $0x4000, s9;
	[sflag:s19] =	ssyncadd.s32 @!p0 $0xFFFFC000  }
0x29: {  	s18 =	simm.s32 @p2 $0x0;
	s14 =	smov.u32 s10;
	s10 =	smov.u32 s17  }
0x2a: {  	s11 =	smov.u32 s18;
	s13 =	sadd.s32 $0x1, s13;
	s12 =	smov.u32 s20  }
.LBB1_1:
0x2b: {  	p0 =	sge.u32 s13, s5  }
0x2c: {  	s17 =	sshll.u32 @!p0 s11, $0x9;
	s18 =	sshll.u32 @!p0 s10, $0x3  }
0x2d: {  	s19 =	sshll.u32 @!p0 s11, $0x7;
	s17 =	sand.u32 @!p0 $0xFFFFF000, s17;
	s18 =	sand.u32 @!p0 $0xFFFFFC00, s18  }
0x2e: {  	s17 =	sadd.s32 @!p0 s17, s18;
	s18 =	sand.u32 @!p0 $0x200, s19  }
0x2f: {  	s17 =	sor.u32 @!p0 s18, s17  }
0x30: {  	s17 =	sshrl.u32 @!p0 s17, $0x9  }
0x31: {  	s31 =	sadd.s32 $0xFFFFFFFF, s13;
	s18 =	smulhi.u32 @!p0 $0x4924925, s17  }
0x32: {  	s20 =	sxor.u32 @!p0 $0xFFFFFFFF, s13;
	s21 =	sand.u32 @!p0 $0x78, s10;
	s22 =	smul.u32 @!p0 $0xE00, s12  }
0x33: {  	s20 =	sshll.u32 @!p0 s20, $0xE;
	s19 =	sand.u32 @!p0 $0x180, s19;
	s18 =	smul.u32 @!p0 $0x38, s18  }
0x34: {  	s20 =	sand.u32 @!p0 $0x4000, s20;
	s19 =	sor.u32 @!p0 s21, s19;
	s21 =	sand.u32 @!p0 $0x7, s10  }
0x35: {  	s17 =	ssub.s32 @!p0 s17, s18;
	s18 =	sshrl.u32 @!p0 s19, $0x3;
	s19 =	sadd.s32 @!p0 s6, s22  }
0x36: {  	s17 =	sshll.u32 @!p0 s17, $0x6;
	s18 =	sadd.s32 @!p0 s18, s19;
	s19 =	sshll.u32 @!p0 s21, $0x12  }
0x37: {  	s17 =	sadd.s32 @!p0 s17, s18;
	s18 =	sor.u32 @!p0 $0x80, s19;
	s19 =	simm.s32 @!p0 $0x7000  }
0x38: {  	[tilespmem:s20], [sflag:$0x1] =	stream.strided.gather @!p0 [hbm4b:s17+s18], $0x4000, s19, s18, $0x38;
	[tilespmem:$0x10000] =	vst v63  }
0x39: {  	p0 =	sge.u32 s31, s5  }
.Ltmp2:
0x3a: {  	_ = 	snop;
	(pc) =	sbr.rel @p0 .LBB1_5-.Ltmp2, $1  }
0x3b: {  	_ =	sdelay $0x3  }
0x3c: {  	s17 =	sand.u32 $0x4000, s9  }
0x3d: {  	s18 =	sor.u32 $0x70, s17  }
0x3e: {  	v1 =	vmov s18;
	_ =	sdelay $0x1  }
0x3f: {  	_ =	swait.ge [sflag:s4], $0x4000  }
0x40: {  	[sflag:s4] =	ssyncset.done $0x0  }
0x41: {  	s19 =	simm.s32 $0x0;
	[sflag:s4] =	ssyncadd.s32 $0xFFFFC000  }
0x42: {  	s17 =	sor.u32 $0x8040, s17;
	v7 =	vld.idx.msk [tilespmem:v1+s19+$0x0 ss:$0x1], $0xffff  }
0x43: {  	v0 =	vmov s17;
	v8 =	vld.idx.msk [tilespmem:v1+s19+$0xFFFFFF90 ss:$0x1], $0xffff  }
0x44: {  	v6 =	vld.idx.msk [tilespmem:v1+s19+$0xFFFFFFA0 ss:$0x1], $0xffff  }
0x45: {  	v4 =	vld.idx.msk [tilespmem:v1+s19+$0xFFFFFFB0 ss:$0x1], $0xffff  }
0x46: {  	v2 =	vld.idx.msk [tilespmem:v1+s19+$0xFFFFFFC0 ss:$0x1], $0xffff  }
0x47: {  	s31 =	sshll.u32 s13, $0xE;
	v3 =	vld.idx.msk [tilespmem:v1+s19+$0xFFFFFFD0 ss:$0x1], $0xffff  }
0x48: {  	s17 =	sand.u32 $0x4000, s31;
	v5 =	vld.idx.msk [tilespmem:v1+s19+$0xFFFFFFE0 ss:$0x1], $0xffff;
	[tilespmem:v0+s19+$0x30 ss:$0x1] =	vst.idx.msk $0xffff, v7  }
0x49: {  	s20 =	simm.s32 $0x400;
	s18 =	simm.s32 $0x80;
	s17 =	sor.u32 $0x8000, s17;
	[tilespmem:v0+s19+$0xFFFFFFC0 ss:$0x1] =	vst.idx.msk $0xffff, v8;
	v7 =	vld.idx.msk [tilespmem:v1+s19+$0xFFFFFFF0 ss:$0x1], $0xffff  }
.LBB1_3:
0x4a: {  	p0 =	sne.s32 s20, $0xFE00;
	v8 =	vld.idx.msk [tilespmem:v1+s18+$0x0 ss:$0x1], $0xffff;
	[tilespmem:v0+s19+$0xFFFFFFD0 ss:$0x1] =	vst.idx.msk $0xffff, v6  }
0x4b: {  	v9 =	vld.idx.msk [tilespmem:v1+s18+$0xFFFFFF90 ss:$0x1], $0xffff;
	[tilespmem:v0+s19+$0xFFFFFFE0 ss:$0x1] =	vst.idx.msk $0xffff, v4  }
0x4c: {  	v6 =	vld.idx.msk [tilespmem:v1+s18+$0xFFFFFFA0 ss:$0x1], $0xffff;
	[tilespmem:v0+s19+$0xFFFFFFF0 ss:$0x1] =	vst.idx.msk $0xffff, v2  }
.Ltmp3:
0x4d: {  	v4 =	vld.idx.msk [tilespmem:v1+s18+$0xFFFFFFB0 ss:$0x1], $0xffff;
	[tilespmem:v0+s19+$0x0 ss:$0x1] =	vst.idx.msk $0xffff, v3;
	(pc) =	sbr.rel @p0 .LBB1_3-.Ltmp3, $4  }
0x4e: {  	v2 =	vld.idx.msk [tilespmem:v1+s18+$0xFFFFFFC0 ss:$0x1], $0xffff;
	[tilespmem:v0+s19+$0x10 ss:$0x1] =	vst.idx.msk $0xffff, v5  }
0x4f: {  	v3 =	vld.idx.msk [tilespmem:v1+s18+$0xFFFFFFD0 ss:$0x1], $0xffff;
	[tilespmem:v0+s19+$0x20 ss:$0x1] =	vst.idx.msk $0xffff, v7;
	s19 =	smov.u32 s18  }
0x50: {  	v5 =	vld.idx.msk [tilespmem:v1+s19+$0xFFFFFFE0 ss:$0x1], $0xffff;
	[tilespmem:v0+s19+$0x30 ss:$0x1] =	vst.idx.msk $0xffff, v8  }
0x51: {  	s18 =	sshra.s32 s20, $0x2;
	s20 =	sadd.s32 $0x200, s20;
	[tilespmem:v0+s19+$0xFFFFFFC0 ss:$0x1] =	vst.idx.msk $0xffff, v9;
	v7 =	vld.idx.msk [tilespmem:v1+s19+$0xFFFFFFF0 ss:$0x1], $0xffff  }
.Ltmp4:
0x52: {  	_ = 	snop;
	(pc) =	sbr.rel .LBB1_4-.Ltmp4, $1  }
0x53: {  	_ =	sdelay $0x3  }
.LBB1_6:
0x54: {  	_ =	sfence.sel $0x180000  }
0x55: {  	s2 =	simm.s32 $0x1;
	[bflag:$0x0] =	sbarrier.arrive $0xFFFF  }
0x56: {  	s31 =	simm.s32 $0x2;
	[sflag:s2] =	ssyncpa.u1 $0x1  }
0x57: {  	[sflag:s31] =	ssyncpa.u1 $0x1  }
0x58: {  	p0 =	sne.s32 s0, $0x0;
	_ =	strace $0x9000004A  }
0x59: {  	s0 =	sadd.s32 @!p0 $0x100000, s1;
	[bflag:$0x2] =	sbarrier.arrive $0xFFFF  }
0x5a: {  	[sflag:s0] =	ssyncadd.tile.s32 @!p0 $0x1;
	_ =	shalt  }
.Lfunc_end1:
_tile_overlayer_lowered:
.L_overlay_start_2:
0x5b: {  	(tag) =	ssettag $0x2  }
0x5c: {  	s0 =	rddreg [dreg:$0x0];
	s2 =	stileid.u32  }
0x5d: {  	s1 =	rddreg [dreg:$0x1];
	p0 =	sne.s32 s2, $0x0  }
0x5e: {  	s3 =	rddreg [dreg:$0x2];
	[bflag:$0x3] =	sbarrier.arrive $0xFFFF;
	s2 =	simm.s32 @!p0 $0x1C01  }
0x5f: {  	[timem:s3], [sflag:s2] =	dma.local @!p0 [hbm:s0], s1  }
0x60: {  	s0 =	simm.s32 @!p0 $0x1  }
0x61: {  	_ =	swait.ge @!p0 [sflag:s0], s1  }
0x62: {  	s1 =	ssub.s32 @!p0 $0x0, s1;
	[sflag:s0] =	ssyncset.done @!p0 $0x0  }
0x63: {  	[sflag:s0] =	ssyncadd.s32 @!p0 s1  }
0x64: {  	[bflag:$0x3] =	sbarrier.arrive $0xFFFF  }
0x65: {  	_ =	shalt  }

</sc_bundles>
